<compile_context>
chip_gen: v7x
topology: tpu7x:2x2x1
jax: 0.10.2.dev20260603
libtpu: 0.0.44.dev20260713+nightly
codegen_flags: <defaults>
</compile_context>

<pallas_src>
import jax
import jax.numpy as jnp
from jax import lax
from jax.experimental import pallas as pl
from jax.experimental.pallas import tpu as pltpu
from jax.experimental.pallas import tpu_sc as plsc

NC = 2
NS = 16
NW = NC * NS

VOCAB_ROWS = 1_000_000
DIM = 64
BATCH = 4096 * 200
B_PER_W = BATCH // NW
CHUNK = 200
RPB = 2
SUPER = CHUNK * RPB
N_SUPER = B_PER_W // SUPER
NBUF = 2


def _emb_body(x_hbm, table_hbm, out_hbm, idx_v, rows_v, gsems, osems):
    wid = lax.axis_index("s") * NC + lax.axis_index("c")
    base = pl.multiple_of(wid * B_PER_W, B_PER_W)

    pltpu.sync_copy(x_hbm.at[pl.ds(base, B_PER_W)], idx_v)

    def gather(g, buf, wait):
        for j in range(RPB):
            cp = pltpu.make_async_copy(
                table_hbm.at[idx_v.at[pl.ds(
                    pl.multiple_of((g * RPB + j) * CHUNK, CHUNK), CHUNK)]],
                rows_v.at[buf, j],
                gsems.at[buf],
            )
            cp.wait() if wait else cp.start()

    def out_copy(g, buf, wait):
        cp = pltpu.make_async_copy(
            rows_v.at[buf],
            out_hbm.at[pl.ds(pl.multiple_of((base // CHUNK) + g * RPB, RPB),
                             RPB), :, pl.ds(0, DIM)],
            osems.at[buf],
        )
        cp.wait() if wait else cp.start()

    for b in range(NBUF):
        gather(b, b, False)

    def outer(i, carry):
        g0 = i * NBUF
        for b in range(NBUF):
            g = g0 + b
            gather(g, b, True)
            out_copy(g, b, False)
            out_copy(g, b, True)

            @pl.when(g + NBUF < N_SUPER)
            def _():
                gather(g + NBUF, b, False)

        return carry

    lax.fori_loop(0, N_SUPER // NBUF, outer, 0, unroll=False)


@jax.jit
def _emb(x_flat, table):
    run = pl.kernel(
        _emb_body,
        out_type=jax.ShapeDtypeStruct((4096, CHUNK, 2 * DIM), jnp.float32),
        mesh=plsc.VectorSubcoreMesh(core_axis_name="c", subcore_axis_name="s"),
        scratch_types=[
            pltpu.VMEM((B_PER_W,), jnp.int32),
            pltpu.VMEM((NBUF, RPB, CHUNK, DIM), jnp.float32),
            pltpu.SemaphoreType.DMA((NBUF,)),
            pltpu.SemaphoreType.DMA((NBUF,)),
        ],
        compiler_params=pltpu.CompilerParams(use_tc_tiling_on_sc=False),
    )
    return run(x_flat, table)


def kernel(x, table):
    return _emb(x.reshape(-1), table)[:, :, :DIM]

# --- scband reference (transcript-rebuilt; emitter-appended) ---
"""Pipeline reference for scband-word-emebdding-30167850287546 (READ-ONLY COPY).

The authoritative reference and input builder live on the scoring server;
editing this copy changes nothing except your own understanding.
"""

import jax, jax.numpy as jnp
import numpy as np

VOCAB = 1000000
EMB_DIM = 64
PAD_IDX = 0

def setup_inputs(seed: int = 0) -> dict:
    key = jax.random.key(seed)
    k1, k2 = jax.random.split(key)
    x = jax.random.randint(k1, (4096, 200), 0, VOCAB, dtype=jnp.int64 if jax.config.read('jax_enable_x64') else jnp.int32).astype(jnp.int32)
    table = jax.random.normal(k2, (VOCAB, EMB_DIM), dtype=jnp.float32)
    # nn.Embedding with padding_idx zeroes that row at init
    table = table.at[PAD_IDX].set(0.0)
    return {"x": x, "table": table}

def reference(x, table):
    # WordEmebdding.forward: self.embedding(x)
    return jnp.take(table, x, axis=0)

if __name__ == "__main__":
    import jax
    _d = setup_inputs()
    print(jax.jit(kernel)(*tuple(_d.values())))

</pallas_src>

<mosaic_0001>
#map = affine_map<(d0, d1) -> (0)>
#map1 = affine_map<(d0, d1) -> (0, 0)>
#map2 = affine_map<(d0, d1) -> (0, 0, 0)>
module attributes {stable_mosaic.version = 14 : i64} {
  func.func @_emb_body(%arg0: i32, %arg1: i32, %arg2: memref<819200xi32, #tpu.memory_space<hbm>>, %arg3: memref<1000000x64xf32, #tpu.memory_space<hbm>>, %arg4: memref<4096x200x128xf32, #tpu.memory_space<hbm>>, %arg5: memref<25600xi32, #tpu.memory_space<vmem>>, %arg6: memref<2x2x200x64xf32, #tpu.memory_space<vmem>>, %arg7: memref<2x!tpu.dma_semaphore, #tpu.memory_space<semaphore_mem>>, %arg8: memref<2x!tpu.dma_semaphore, #tpu.memory_space<semaphore_mem>>) attributes {dimension_semantics = [#tpu.dimension_semantics<core_parallel>, #tpu.dimension_semantics<subcore_parallel>], iteration_bounds = array<i64: 2, 16>, scalar_prefetch = 0 : i64, scratch_operands = 4 : i64, tpu.core_type = #tpu.core_type<sc_vector_subcore>, window_params = [{transform_indices = #map}, {transform_indices = #map1}, {transform_indices = #map2}]} {
    %mul3A = arith.constant 2 : i32
    %mul3A_0 = arith.muli %arg1, %mul3A : i32
    %add3A = arith.addi %mul3A_0, %arg0 : i32
    %mul3A_1 = arith.constant 25600 : i32
    %mul3A_2 = arith.muli %add3A, %mul3A_1 : i32
    %multiple_of3A = tpu.assume_multiple %mul3A_2, 25600 : i32
    "tpu.region"() ({
      %run_scoped3A = tpu.sem_alloc : memref<!tpu.dma_semaphore, #tpu.memory_space<semaphore_mem>>
      %dma_start3A_67 = tpu.memref_slice %arg2[%multiple_of3A] : memref<819200xi32, #tpu.memory_space<hbm>> -> memref<25600xi32, #tpu.memory_space<hbm>>
      %dma_start3A_68 = tpu.memref_slice %arg2[%multiple_of3A] : memref<819200xi32, #tpu.memory_space<hbm>> -> memref<25600xi32, #tpu.memory_space<hbm>>
      tpu.enqueue_dma source(%dma_start3A_68 : memref<25600xi32, #tpu.memory_space<hbm>>) target(%arg5 : memref<25600xi32, #tpu.memory_space<vmem>>) target_semaphore(%run_scoped3A : memref<!tpu.dma_semaphore, #tpu.memory_space<semaphore_mem>>)
      %dma_wait3A = tpu.memref_slice %arg2[%multiple_of3A] : memref<819200xi32, #tpu.memory_space<hbm>> -> memref<25600xi32, #tpu.memory_space<hbm>>
      %dma_wait3A_69 = tpu.memref_slice %arg2[%multiple_of3A] : memref<819200xi32, #tpu.memory_space<hbm>> -> memref<25600xi32, #tpu.memory_space<hbm>>
      tpu.wait_dma2 semaphore(%run_scoped3A : memref<!tpu.dma_semaphore, #tpu.memory_space<semaphore_mem>>) src(%dma_wait3A_69 : memref<25600xi32, #tpu.memory_space<hbm>>) dst(%arg5 : memref<25600xi32, #tpu.memory_space<vmem>>)
      tpu.yield
    }) : () -> ()
    %multiple_of3A_3 = arith.constant 0 : i32
    %multiple_of3A_4 = tpu.assume_multiple %multiple_of3A_3, 200 : i32
    %dma_start3A = arith.constant 0 : i32
    %dma_start3A_5 = arith.constant 0 : i32
    %dma_start3A_6 = arith.constant 0 : i32
    %dma_start3A_7 = arith.constant 0 : i32
    %dma_start3A_8 = arith.constant 0 : i32
    %dma_start3A_9 = tpu.memref_slice %arg6[%dma_start3A, %dma_start3A_5, %dma_start3A_7, %dma_start3A_8] : memref<2x2x200x64xf32, #tpu.memory_space<vmem>> -> memref<1x1x200x64xf32, #tpu.memory_space<vmem>>
    %dma_start3A_10 = tpu.memref_squeeze %dma_start3A_9 : memref<1x1x200x64xf32, #tpu.memory_space<vmem>> -> memref<200x64xf32, #tpu.memory_space<vmem>>
    %dma_start3A_11 = tpu.memref_slice %arg5[%multiple_of3A_4] : memref<25600xi32, #tpu.memory_space<vmem>> -> memref<200xi32, #tpu.memory_space<vmem>>
    %dma_start3A_12 = arith.constant 0 : i32
    %dma_start3A_13 = arith.constant 0 : i32
    %dma_start3A_14 = tpu.memref_slice %arg3[%dma_start3A_12, %dma_start3A_13] : memref<1000000x64xf32, #tpu.memory_space<hbm>> -> memref<1000000x64xf32, #tpu.memory_space<hbm>>
    %dma_start3A_15 = tpu.memref_slice %arg7[%dma_start3A_6] : memref<2x!tpu.dma_semaphore, #tpu.memory_space<semaphore_mem>> -> memref<1x!tpu.dma_semaphore, #tpu.memory_space<semaphore_mem>>
    %dma_start3A_16 = tpu.memref_squeeze %dma_start3A_15 : memref<1x!tpu.dma_semaphore, #tpu.memory_space<semaphore_mem>> -> memref<!tpu.dma_semaphore, #tpu.memory_space<semaphore_mem>>
    tpu.enqueue_indirect_dma source(%dma_start3A_14 : memref<1000000x64xf32, #tpu.memory_space<hbm>>) target(%dma_start3A_10 : memref<200x64xf32, #tpu.memory_space<vmem>>) offsets(%dma_start3A_11 : memref<200xi32, #tpu.memory_space<vmem>>) semaphore(%dma_start3A_16 : memref<!tpu.dma_semaphore, #tpu.memory_space<semaphore_mem>>)
    %multiple_of3A_17 = arith.constant 200 : i32
    %multiple_of3A_18 = tpu.assume_multiple %multiple_of3A_17, 200 : i32
    %dma_start3A_19 = arith.constant 0 : i32
    %dma_start3A_20 = arith.constant 1 : i32
    %dma_start3A_21 = arith.constant 0 : i32
    %dma_start3A_22 = arith.constant 0 : i32
    %dma_start3A_23 = arith.constant 0 : i32
    %dma_start3A_24 = tpu.memref_slice %arg6[%dma_start3A_19, %dma_start3A_20, %dma_start3A_22, %dma_start3A_23] : memref<2x2x200x64xf32, #tpu.memory_space<vmem>> -> memref<1x1x200x64xf32, #tpu.memory_space<vmem>>
    %dma_start3A_25 = tpu.memref_squeeze %dma_start3A_24 : memref<1x1x200x64xf32, #tpu.memory_space<vmem>> -> memref<200x64xf32, #tpu.memory_space<vmem>>
    %dma_start3A_26 = tpu.memref_slice %arg5[%multiple_of3A_18] : memref<25600xi32, #tpu.memory_space<vmem>> -> memref<200xi32, #tpu.memory_space<vmem>>
    %dma_start3A_27 = arith.constant 0 : i32
    %dma_start3A_28 = arith.constant 0 : i32
    %dma_start3A_29 = tpu.memref_slice %arg3[%dma_start3A_27, %dma_start3A_28] : memref<1000000x64xf32, #tpu.memory_space<hbm>> -> memref<1000000x64xf32, #tpu.memory_space<hbm>>
    %dma_start3A_30 = tpu.memref_slice %arg7[%dma_start3A_21] : memref<2x!tpu.dma_semaphore, #tpu.memory_space<semaphore_mem>> -> memref<1x!tpu.dma_semaphore, #tpu.memory_space<semaphore_mem>>
    %dma_start3A_31 = tpu.memref_squeeze %dma_start3A_30 : memref<1x!tpu.dma_semaphore, #tpu.memory_space<semaphore_mem>> -> memref<!tpu.dma_semaphore, #tpu.memory_space<semaphore_mem>>
    tpu.enqueue_indirect_dma source(%dma_start3A_29 : memref<1000000x64xf32, #tpu.memory_space<hbm>>) target(%dma_start3A_25 : memref<200x64xf32, #tpu.memory_space<vmem>>) offsets(%dma_start3A_26 : memref<200xi32, #tpu.memory_space<vmem>>) semaphore(%dma_start3A_31 : memref<!tpu.dma_semaphore, #tpu.memory_space<semaphore_mem>>)
    %multiple_of3A_32 = arith.constant 400 : i32
    %multiple_of3A_33 = tpu.assume_multiple %multiple_of3A_32, 200 : i32
    %dma_start3A_34 = arith.constant 1 : i32
    %dma_start3A_35 = arith.constant 0 : i32
    %dma_start3A_36 = arith.constant 1 : i32
    %dma_start3A_37 = arith.constant 0 : i32
    %dma_start3A_38 = arith.constant 0 : i32
    %dma_start3A_39 = tpu.memref_slice %arg6[%dma_start3A_34, %dma_start3A_35, %dma_start3A_37, %dma_start3A_38] : memref<2x2x200x64xf32, #tpu.memory_space<vmem>> -> memref<1x1x200x64xf32, #tpu.memory_space<vmem>>
    %dma_start3A_40 = tpu.memref_squeeze %dma_start3A_39 : memref<1x1x200x64xf32, #tpu.memory_space<vmem>> -> memref<200x64xf32, #tpu.memory_space<vmem>>
    %dma_start3A_41 = tpu.memref_slice %arg5[%multiple_of3A_33] : memref<25600xi32, #tpu.memory_space<vmem>> -> memref<200xi32, #tpu.memory_space<vmem>>
    %dma_start3A_42 = arith.constant 0 : i32
    %dma_start3A_43 = arith.constant 0 : i32
    %dma_start3A_44 = tpu.memref_slice %arg3[%dma_start3A_42, %dma_start3A_43] : memref<1000000x64xf32, #tpu.memory_space<hbm>> -> memref<1000000x64xf32, #tpu.memory_space<hbm>>
    %dma_start3A_45 = tpu.memref_slice %arg7[%dma_start3A_36] : memref<2x!tpu.dma_semaphore, #tpu.memory_space<semaphore_mem>> -> memref<1x!tpu.dma_semaphore, #tpu.memory_space<semaphore_mem>>
    %dma_start3A_46 = tpu.memref_squeeze %dma_start3A_45 : memref<1x!tpu.dma_semaphore, #tpu.memory_space<semaphore_mem>> -> memref<!tpu.dma_semaphore, #tpu.memory_space<semaphore_mem>>
    tpu.enqueue_indirect_dma source(%dma_start3A_44 : memref<1000000x64xf32, #tpu.memory_space<hbm>>) target(%dma_start3A_40 : memref<200x64xf32, #tpu.memory_space<vmem>>) offsets(%dma_start3A_41 : memref<200xi32, #tpu.memory_space<vmem>>) semaphore(%dma_start3A_46 : memref<!tpu.dma_semaphore, #tpu.memory_space<semaphore_mem>>)
    %multiple_of3A_47 = arith.constant 600 : i32
    %multiple_of3A_48 = tpu.assume_multiple %multiple_of3A_47, 200 : i32
    %dma_start3A_49 = arith.constant 1 : i32
    %dma_start3A_50 = arith.constant 1 : i32
    %dma_start3A_51 = arith.constant 1 : i32
    %dma_start3A_52 = arith.constant 0 : i32
    %dma_start3A_53 = arith.constant 0 : i32
    %dma_start3A_54 = tpu.memref_slice %arg6[%dma_start3A_49, %dma_start3A_50, %dma_start3A_52, %dma_start3A_53] : memref<2x2x200x64xf32, #tpu.memory_space<vmem>> -> memref<1x1x200x64xf32, #tpu.memory_space<vmem>>
    %dma_start3A_55 = tpu.memref_squeeze %dma_start3A_54 : memref<1x1x200x64xf32, #tpu.memory_space<vmem>> -> memref<200x64xf32, #tpu.memory_space<vmem>>
    %dma_start3A_56 = tpu.memref_slice %arg5[%multiple_of3A_48] : memref<25600xi32, #tpu.memory_space<vmem>> -> memref<200xi32, #tpu.memory_space<vmem>>
    %dma_start3A_57 = arith.constant 0 : i32
    %dma_start3A_58 = arith.constant 0 : i32
    %dma_start3A_59 = tpu.memref_slice %arg3[%dma_start3A_57, %dma_start3A_58] : memref<1000000x64xf32, #tpu.memory_space<hbm>> -> memref<1000000x64xf32, #tpu.memory_space<hbm>>
    %dma_start3A_60 = tpu.memref_slice %arg7[%dma_start3A_51] : memref<2x!tpu.dma_semaphore, #tpu.memory_space<semaphore_mem>> -> memref<1x!tpu.dma_semaphore, #tpu.memory_space<semaphore_mem>>
    %dma_start3A_61 = tpu.memref_squeeze %dma_start3A_60 : memref<1x!tpu.dma_semaphore, #tpu.memory_space<semaphore_mem>> -> memref<!tpu.dma_semaphore, #tpu.memory_space<semaphore_mem>>
    tpu.enqueue_indirect_dma source(%dma_start3A_59 : memref<1000000x64xf32, #tpu.memory_space<hbm>>) target(%dma_start3A_55 : memref<200x64xf32, #tpu.memory_space<vmem>>) offsets(%dma_start3A_56 : memref<200xi32, #tpu.memory_space<vmem>>) semaphore(%dma_start3A_61 : memref<!tpu.dma_semaphore, #tpu.memory_space<semaphore_mem>>)
    %scan3A = arith.constant 0 : i32
    %scan3A_62 = arith.constant 0 : i32
    %scan3A_63 = arith.constant 32 : i32
    %scan3A_64 = arith.addi %scan3A_62, %scan3A_63 : i32
    %scan3A_65 = arith.constant 1 : i32
    scf.for %scan3A_67 = %scan3A_62 to %scan3A_64 step %scan3A_65  : i32 {
      %mul3A_68 = arith.constant 2 : i32
      %mul3A_69 = arith.muli %scan3A_67, %mul3A_68 : i32
      %add3A_70 = arith.constant 0 : i32
      %add3A_71 = arith.addi %mul3A_69, %add3A_70 : i32
      %mul3A_72 = arith.constant 2 : i32
      %mul3A_73 = arith.muli %add3A_71, %mul3A_72 : i32
      %add3A_74 = arith.constant 0 : i32
      %add3A_75 = arith.addi %mul3A_73, %add3A_74 : i32
      %mul3A_76 = arith.constant 200 : i32
      %mul3A_77 = arith.muli %add3A_75, %mul3A_76 : i32
      %multiple_of3A_78 = tpu.assume_multiple %mul3A_77, 200 : i32
      %dma_wait3A = arith.constant 0 : i32
      %dma_wait3A_79 = arith.constant 0 : i32
      %dma_wait3A_80 = arith.constant 0 : i32
      %dma_wait3A_81 = arith.constant 0 : i32
      %dma_wait3A_82 = arith.constant 0 : i32
      %dma_wait3A_83 = tpu.memref_slice %arg6[%dma_wait3A, %dma_wait3A_79, %dma_wait3A_81, %dma_wait3A_82] : memref<2x2x200x64xf32, #tpu.memory_space<vmem>> -> memref<1x1x200x64xf32, #tpu.memory_space<vmem>>
      %dma_wait3A_84 = tpu.memref_squeeze %dma_wait3A_83 : memref<1x1x200x64xf32, #tpu.memory_space<vmem>> -> memref<200x64xf32, #tpu.memory_space<vmem>>
      %dma_wait3A_85 = tpu.memref_slice %arg5[%multiple_of3A_78] : memref<25600xi32, #tpu.memory_space<vmem>> -> memref<200xi32, #tpu.memory_space<vmem>>
      %dma_wait3A_86 = arith.constant 0 : i32
      %dma_wait3A_87 = arith.constant 0 : i32
      %dma_wait3A_88 = tpu.memref_slice %arg3[%dma_wait3A_86, %dma_wait3A_87] : memref<1000000x64xf32, #tpu.memory_space<hbm>> -> memref<1000000x64xf32, #tpu.memory_space<hbm>>
      %dma_wait3A_89 = tpu.memref_slice %arg7[%dma_wait3A_80] : memref<2x!tpu.dma_semaphore, #tpu.memory_space<semaphore_mem>> -> memref<1x!tpu.dma_semaphore, #tpu.memory_space<semaphore_mem>>
      %dma_wait3A_90 = tpu.memref_squeeze %dma_wait3A_89 : memref<1x!tpu.dma_semaphore, #tpu.memory_space<semaphore_mem>> -> memref<!tpu.dma_semaphore, #tpu.memory_space<semaphore_mem>>
      tpu.wait_indirect_dma semaphore(%dma_wait3A_90 : memref<!tpu.dma_semaphore, #tpu.memory_space<semaphore_mem>>) src(%dma_wait3A_88 : memref<1000000x64xf32, #tpu.memory_space<hbm>>) dst(%dma_wait3A_84 : memref<200x64xf32, #tpu.memory_space<vmem>>)
      %mul3A_91 = arith.constant 2 : i32
      %mul3A_92 = arith.muli %add3A_71, %mul3A_91 : i32
      %add3A_93 = arith.constant 1 : i32
      %add3A_94 = arith.addi %mul3A_92, %add3A_93 : i32
      %mul3A_95 = arith.constant 200 : i32
      %mul3A_96 = arith.muli %add3A_94, %mul3A_95 : i32
      %multiple_of3A_97 = tpu.assume_multiple %mul3A_96, 200 : i32
      %dma_wait3A_98 = arith.constant 0 : i32
      %dma_wait3A_99 = arith.constant 1 : i32
      %dma_wait3A_100 = arith.constant 0 : i32
      %dma_wait3A_101 = arith.constant 0 : i32
      %dma_wait3A_102 = arith.constant 0 : i32
      %dma_wait3A_103 = tpu.memref_slice %arg6[%dma_wait3A_98, %dma_wait3A_99, %dma_wait3A_101, %dma_wait3A_102] : memref<2x2x200x64xf32, #tpu.memory_space<vmem>> -> memref<1x1x200x64xf32, #tpu.memory_space<vmem>>
      %dma_wait3A_104 = tpu.memref_squeeze %dma_wait3A_103 : memref<1x1x200x64xf32, #tpu.memory_space<vmem>> -> memref<200x64xf32, #tpu.memory_space<vmem>>
      %dma_wait3A_105 = tpu.memref_slice %arg5[%multiple_of3A_97] : memref<25600xi32, #tpu.memory_space<vmem>> -> memref<200xi32, #tpu.memory_space<vmem>>
      %dma_wait3A_106 = arith.constant 0 : i32
      %dma_wait3A_107 = arith.constant 0 : i32
      %dma_wait3A_108 = tpu.memref_slice %arg3[%dma_wait3A_106, %dma_wait3A_107] : memref<1000000x64xf32, #tpu.memory_space<hbm>> -> memref<1000000x64xf32, #tpu.memory_space<hbm>>
      %dma_wait3A_109 = tpu.memref_slice %arg7[%dma_wait3A_100] : memref<2x!tpu.dma_semaphore, #tpu.memory_space<semaphore_mem>> -> memref<1x!tpu.dma_semaphore, #tpu.memory_space<semaphore_mem>>
      %dma_wait3A_110 = tpu.memref_squeeze %dma_wait3A_109 : memref<1x!tpu.dma_semaphore, #tpu.memory_space<semaphore_mem>> -> memref<!tpu.dma_semaphore, #tpu.memory_space<semaphore_mem>>
      tpu.wait_indirect_dma semaphore(%dma_wait3A_110 : memref<!tpu.dma_semaphore, #tpu.memory_space<semaphore_mem>>) src(%dma_wait3A_108 : memref<1000000x64xf32, #tpu.memory_space<hbm>>) dst(%dma_wait3A_104 : memref<200x64xf32, #tpu.memory_space<vmem>>)
      %jit3A = arith.constant 200 : i32
      %div3A = arith.divsi %multiple_of3A, %jit3A : i32
      %sign3A = arith.constant 0 : i32
      %sign3A_111 = arith.cmpi sgt, %multiple_of3A, %sign3A : i32
      %sign3A_112 = arith.extui %sign3A_111 : i1 to i32
      %sign3A_113 = arith.constant 0 : i32
      %sign3A_114 = arith.cmpi slt, %multiple_of3A, %sign3A_113 : i32
      %sign3A_115 = arith.extui %sign3A_114 : i1 to i32
      %sign3A_116 = arith.subi %sign3A_112, %sign3A_115 : i32
      %sign3A_117 = arith.constant 0 : i32
      %sign3A_118 = arith.cmpi sgt, %jit3A, %sign3A_117 : i32
      %sign3A_119 = arith.extui %sign3A_118 : i1 to i32
      %sign3A_120 = arith.constant 0 : i32
      %sign3A_121 = arith.cmpi slt, %jit3A, %sign3A_120 : i32
      %sign3A_122 = arith.extui %sign3A_121 : i1 to i32
      %sign3A_123 = arith.subi %sign3A_119, %sign3A_122 : i32
      %ne3A = arith.cmpi ne, %sign3A_116, %sign3A_123 : i32
      %rem3A = arith.remsi %multiple_of3A, %jit3A : i32
      %ne3A_124 = arith.constant 0 : i32
      %ne3A_125 = arith.cmpi ne, %rem3A, %ne3A_124 : i32
      %and3A = arith.andi %ne3A, %ne3A_125 : i1
      %sub3A = arith.constant 1 : i32
      %sub3A_126 = arith.subi %div3A, %sub3A : i32
      %select_n3A = arith.select %and3A, %sub3A_126, %div3A : i32
      %mul3A_127 = arith.constant 2 : i32
      %mul3A_128 = arith.muli %add3A_71, %mul3A_127 : i32
      %add3A_129 = arith.addi %select_n3A, %mul3A_128 : i32
      %multiple_of3A_130 = tpu.assume_multiple %add3A_129, 2 : i32
      %dma_start3A_131 = arith.constant 0 : i32
      %dma_start3A_132 = arith.constant 0 : i32
      %dma_start3A_133 = arith.constant 0 : i32
      %dma_start3A_134 = arith.constant 0 : i32
      %dma_start3A_135 = arith.constant 0 : i32
      %dma_start3A_136 = tpu.memref_slice %arg6[%dma_start3A_131, %dma_start3A_133, %dma_start3A_134, %dma_start3A_135] : memref<2x2x200x64xf32, #tpu.memory_space<vmem>> -> memref<1x2x200x64xf32, #tpu.memory_space<vmem>>
      %dma_start3A_137 = tpu.memref_squeeze %dma_start3A_136 : memref<1x2x200x64xf32, #tpu.memory_space<vmem>> -> memref<2x200x64xf32, #tpu.memory_space<vmem>>
      %dma_start3A_138 = arith.constant 0 : i32
      %dma_start3A_139 = arith.constant 0 : i32
      %dma_start3A_140 = tpu.memref_slice %arg4[%multiple_of3A_130, %dma_start3A_138, %dma_start3A_139] : memref<4096x200x128xf32, #tpu.memory_space<hbm>> -> memref<2x200x64xf32, #tpu.memory_space<hbm>>
      %dma_start3A_141 = tpu.memref_slice %arg8[%dma_start3A_132] : memref<2x!tpu.dma_semaphore, #tpu.memory_space<semaphore_mem>> -> memref<1x!tpu.dma_semaphore, #tpu.memory_space<semaphore_mem>>
      %dma_start3A_142 = tpu.memref_squeeze %dma_start3A_141 : memref<1x!tpu.dma_semaphore, #tpu.memory_space<semaphore_mem>> -> memref<!tpu.dma_semaphore, #tpu.memory_space<semaphore_mem>>
      %dma_start3A_143 = arith.constant 0 : i32
      %dma_start3A_144 = arith.constant 0 : i32
      %dma_start3A_145 = tpu.memref_slice %arg4[%multiple_of3A_130, %dma_start3A_143, %dma_start3A_144] : memref<4096x200x128xf32, #tpu.memory_space<hbm>> -> memref<2x200x64xf32, #tpu.memory_space<hbm>>
      %dma_start3A_146 = arith.constant 0 : i32
      %dma_start3A_147 = arith.constant 0 : i32
      %dma_start3A_148 = arith.constant 0 : i32
      %dma_start3A_149 = tpu.memref_slice %arg6[%dma_start3A_131, %dma_start3A_146, %dma_start3A_147, %dma_start3A_148] : memref<2x2x200x64xf32, #tpu.memory_space<vmem>> -> memref<1x2x200x64xf32, #tpu.memory_space<vmem>>
      %dma_start3A_150 = tpu.memref_squeeze %dma_start3A_149 : memref<1x2x200x64xf32, #tpu.memory_space<vmem>> -> memref<2x200x64xf32, #tpu.memory_space<vmem>>
      tpu.enqueue_dma source(%dma_start3A_150 : memref<2x200x64xf32, #tpu.memory_space<vmem>>) target(%dma_start3A_145 : memref<2x200x64xf32, #tpu.memory_space<hbm>>) target_semaphore(%dma_start3A_142 : memref<!tpu.dma_semaphore, #tpu.memory_space<semaphore_mem>>)
      %jit3A_151 = arith.constant 200 : i32
      %div3A_152 = arith.divsi %multiple_of3A, %jit3A_151 : i32
      %sign3A_153 = arith.constant 0 : i32
      %sign3A_154 = arith.cmpi sgt, %multiple_of3A, %sign3A_153 : i32
      %sign3A_155 = arith.extui %sign3A_154 : i1 to i32
      %sign3A_156 = arith.constant 0 : i32
      %sign3A_157 = arith.cmpi slt, %multiple_of3A, %sign3A_156 : i32
      %sign3A_158 = arith.extui %sign3A_157 : i1 to i32
      %sign3A_159 = arith.subi %sign3A_155, %sign3A_158 : i32
      %sign3A_160 = arith.constant 0 : i32
      %sign3A_161 = arith.cmpi sgt, %jit3A_151, %sign3A_160 : i32
      %sign3A_162 = arith.extui %sign3A_161 : i1 to i32
      %sign3A_163 = arith.constant 0 : i32
      %sign3A_164 = arith.cmpi slt, %jit3A_151, %sign3A_163 : i32
      %sign3A_165 = arith.extui %sign3A_164 : i1 to i32
      %sign3A_166 = arith.subi %sign3A_162, %sign3A_165 : i32
      %ne3A_167 = arith.cmpi ne, %sign3A_159, %sign3A_166 : i32
      %rem3A_168 = arith.remsi %multiple_of3A, %jit3A_151 : i32
      %ne3A_169 = arith.constant 0 : i32
      %ne3A_170 = arith.cmpi ne, %rem3A_168, %ne3A_169 : i32
      %and3A_171 = arith.andi %ne3A_167, %ne3A_170 : i1
      %sub3A_172 = arith.constant 1 : i32
      %sub3A_173 = arith.subi %div3A_152, %sub3A_172 : i32
      %select_n3A_174 = arith.select %and3A_171, %sub3A_173, %div3A_152 : i32
      %mul3A_175 = arith.constant 2 : i32
      %mul3A_176 = arith.muli %add3A_71, %mul3A_175 : i32
      %add3A_177 = arith.addi %select_n3A_174, %mul3A_176 : i32
      %multiple_of3A_178 = tpu.assume_multiple %add3A_177, 2 : i32
      %dma_wait3A_179 = arith.constant 0 : i32
      %dma_wait3A_180 = arith.constant 0 : i32
      %dma_wait3A_181 = arith.constant 0 : i32
      %dma_wait3A_182 = arith.constant 0 : i32
      %dma_wait3A_183 = arith.constant 0 : i32
      %dma_wait3A_184 = tpu.memref_slice %arg6[%dma_wait3A_179, %dma_wait3A_181, %dma_wait3A_182, %dma_wait3A_183] : memref<2x2x200x64xf32, #tpu.memory_space<vmem>> -> memref<1x2x200x64xf32, #tpu.memory_space<vmem>>
      %dma_wait3A_185 = tpu.memref_squeeze %dma_wait3A_184 : memref<1x2x200x64xf32, #tpu.memory_space<vmem>> -> memref<2x200x64xf32, #tpu.memory_space<vmem>>
      %dma_wait3A_186 = arith.constant 0 : i32
      %dma_wait3A_187 = arith.constant 0 : i32
      %dma_wait3A_188 = tpu.memref_slice %arg4[%multiple_of3A_178, %dma_wait3A_186, %dma_wait3A_187] : memref<4096x200x128xf32, #tpu.memory_space<hbm>> -> memref<2x200x64xf32, #tpu.memory_space<hbm>>
      %dma_wait3A_189 = tpu.memref_slice %arg8[%dma_wait3A_180] : memref<2x!tpu.dma_semaphore, #tpu.memory_space<semaphore_mem>> -> memref<1x!tpu.dma_semaphore, #tpu.memory_space<semaphore_mem>>
      %dma_wait3A_190 = tpu.memref_squeeze %dma_wait3A_189 : memref<1x!tpu.dma_semaphore, #tpu.memory_space<semaphore_mem>> -> memref<!tpu.dma_semaphore, #tpu.memory_space<semaphore_mem>>
      %dma_wait3A_191 = arith.constant 0 : i32
      %dma_wait3A_192 = arith.constant 0 : i32
      %dma_wait3A_193 = tpu.memref_slice %arg4[%multiple_of3A_178, %dma_wait3A_191, %dma_wait3A_192] : memref<4096x200x128xf32, #tpu.memory_space<hbm>> -> memref<2x200x64xf32, #tpu.memory_space<hbm>>
      %dma_wait3A_194 = arith.constant 0 : i32
      %dma_wait3A_195 = arith.constant 0 : i32
      %dma_wait3A_196 = arith.constant 0 : i32
      %dma_wait3A_197 = tpu.memref_slice %arg6[%dma_wait3A_179, %dma_wait3A_194, %dma_wait3A_195, %dma_wait3A_196] : memref<2x2x200x64xf32, #tpu.memory_space<vmem>> -> memref<1x2x200x64xf32, #tpu.memory_space<vmem>>
      %dma_wait3A_198 = tpu.memref_squeeze %dma_wait3A_197 : memref<1x2x200x64xf32, #tpu.memory_space<vmem>> -> memref<2x200x64xf32, #tpu.memory_space<vmem>>
      tpu.wait_dma2 semaphore(%dma_wait3A_190 : memref<!tpu.dma_semaphore, #tpu.memory_space<semaphore_mem>>) src(%dma_wait3A_198 : memref<2x200x64xf32, #tpu.memory_space<vmem>>) dst(%dma_wait3A_193 : memref<2x200x64xf32, #tpu.memory_space<hbm>>)
      %add3A_199 = arith.constant 2 : i32
      %add3A_200 = arith.addi %add3A_71, %add3A_199 : i32
      %lt3A = arith.constant 64 : i32
      %lt3A_201 = arith.cmpi slt, %add3A_200, %lt3A : i32
      %convert_element_type3A = arith.extui %lt3A_201 : i1 to i32
      %cond3A = arith.constant 0 : i32
      %cond3A_202 = arith.cmpi ne, %convert_element_type3A, %cond3A : i32
      scf.if %cond3A_202 {
        %add3A_348 = arith.constant 2 : i32
        %add3A_349 = arith.addi %add3A_71, %add3A_348 : i32
        %mul3A_350 = arith.constant 2 : i32
        %mul3A_351 = arith.muli %add3A_349, %mul3A_350 : i32
        %add3A_352 = arith.constant 0 : i32
        %add3A_353 = arith.addi %mul3A_351, %add3A_352 : i32
        %mul3A_354 = arith.constant 200 : i32
        %mul3A_355 = arith.muli %add3A_353, %mul3A_354 : i32
        %multiple_of3A_356 = tpu.assume_multiple %mul3A_355, 200 : i32
        %dma_start3A_357 = arith.constant 0 : i32
        %dma_start3A_358 = arith.constant 0 : i32
        %dma_start3A_359 = arith.constant 0 : i32
        %dma_start3A_360 = arith.constant 0 : i32
        %dma_start3A_361 = arith.constant 0 : i32
        %dma_start3A_362 = tpu.memref_slice %arg6[%dma_start3A_357, %dma_start3A_358, %dma_start3A_360, %dma_start3A_361] : memref<2x2x200x64xf32, #tpu.memory_space<vmem>> -> memref<1x1x200x64xf32, #tpu.memory_space<vmem>>
        %dma_start3A_363 = tpu.memref_squeeze %dma_start3A_362 : memref<1x1x200x64xf32, #tpu.memory_space<vmem>> -> memref<200x64xf32, #tpu.memory_space<vmem>>
        %dma_start3A_364 = tpu.memref_slice %arg5[%multiple_of3A_356] : memref<25600xi32, #tpu.memory_space<vmem>> -> memref<200xi32, #tpu.memory_space<vmem>>
        %dma_start3A_365 = arith.constant 0 : i32
        %dma_start3A_366 = arith.constant 0 : i32
        %dma_start3A_367 = tpu.memref_slice %arg3[%dma_start3A_365, %dma_start3A_366] : memref<1000000x64xf32, #tpu.memory_space<hbm>> -> memref<1000000x64xf32, #tpu.memory_space<hbm>>
        %dma_start3A_368 = tpu.memref_slice %arg7[%dma_start3A_359] : memref<2x!tpu.dma_semaphore, #tpu.memory_space<semaphore_mem>> -> memref<1x!tpu.dma_semaphore, #tpu.memory_space<semaphore_mem>>
        %dma_start3A_369 = tpu.memref_squeeze %dma_start3A_368 : memref<1x!tpu.dma_semaphore, #tpu.memory_space<semaphore_mem>> -> memref<!tpu.dma_semaphore, #tpu.memory_space<semaphore_mem>>
        tpu.enqueue_indirect_dma source(%dma_start3A_367 : memref<1000000x64xf32, #tpu.memory_space<hbm>>) target(%dma_start3A_363 : memref<200x64xf32, #tpu.memory_space<vmem>>) offsets(%dma_start3A_364 : memref<200xi32, #tpu.memory_space<vmem>>) semaphore(%dma_start3A_369 : memref<!tpu.dma_semaphore, #tpu.memory_space<semaphore_mem>>)
        %mul3A_370 = arith.constant 2 : i32
        %mul3A_371 = arith.muli %add3A_349, %mul3A_370 : i32
        %add3A_372 = arith.constant 1 : i32
        %add3A_373 = arith.addi %mul3A_371, %add3A_372 : i32
        %mul3A_374 = arith.constant 200 : i32
        %mul3A_375 = arith.muli %add3A_373, %mul3A_374 : i32
        %multiple_of3A_376 = tpu.assume_multiple %mul3A_375, 200 : i32
        %dma_start3A_377 = arith.constant 0 : i32
        %dma_start3A_378 = arith.constant 1 : i32
        %dma_start3A_379 = arith.constant 0 : i32
        %dma_start3A_380 = arith.constant 0 : i32
        %dma_start3A_381 = arith.constant 0 : i32
        %dma_start3A_382 = tpu.memref_slice %arg6[%dma_start3A_377, %dma_start3A_378, %dma_start3A_380, %dma_start3A_381] : memref<2x2x200x64xf32, #tpu.memory_space<vmem>> -> memref<1x1x200x64xf32, #tpu.memory_space<vmem>>
        %dma_start3A_383 = tpu.memref_squeeze %dma_start3A_382 : memref<1x1x200x64xf32, #tpu.memory_space<vmem>> -> memref<200x64xf32, #tpu.memory_space<vmem>>
        %dma_start3A_384 = tpu.memref_slice %arg5[%multiple_of3A_376] : memref<25600xi32, #tpu.memory_space<vmem>> -> memref<200xi32, #tpu.memory_space<vmem>>
        %dma_start3A_385 = arith.constant 0 : i32
        %dma_start3A_386 = arith.constant 0 : i32
        %dma_start3A_387 = tpu.memref_slice %arg3[%dma_start3A_385, %dma_start3A_386] : memref<1000000x64xf32, #tpu.memory_space<hbm>> -> memref<1000000x64xf32, #tpu.memory_space<hbm>>
        %dma_start3A_388 = tpu.memref_slice %arg7[%dma_start3A_379] : memref<2x!tpu.dma_semaphore, #tpu.memory_space<semaphore_mem>> -> memref<1x!tpu.dma_semaphore, #tpu.memory_space<semaphore_mem>>
        %dma_start3A_389 = tpu.memref_squeeze %dma_start3A_388 : memref<1x!tpu.dma_semaphore, #tpu.memory_space<semaphore_mem>> -> memref<!tpu.dma_semaphore, #tpu.memory_space<semaphore_mem>>
        tpu.enqueue_indirect_dma source(%dma_start3A_387 : memref<1000000x64xf32, #tpu.memory_space<hbm>>) target(%dma_start3A_383 : memref<200x64xf32, #tpu.memory_space<vmem>>) offsets(%dma_start3A_384 : memref<200xi32, #tpu.memory_space<vmem>>) semaphore(%dma_start3A_389 : memref<!tpu.dma_semaphore, #tpu.memory_space<semaphore_mem>>)
      } else {
      }
      %add3A_203 = arith.constant 1 : i32
      %add3A_204 = arith.addi %mul3A_69, %add3A_203 : i32
      %mul3A_205 = arith.constant 2 : i32
      %mul3A_206 = arith.muli %add3A_204, %mul3A_205 : i32
      %add3A_207 = arith.constant 0 : i32
      %add3A_208 = arith.addi %mul3A_206, %add3A_207 : i32
      %mul3A_209 = arith.constant 200 : i32
      %mul3A_210 = arith.muli %add3A_208, %mul3A_209 : i32
      %multiple_of3A_211 = tpu.assume_multiple %mul3A_210, 200 : i32
      %dma_wait3A_212 = arith.constant 1 : i32
      %dma_wait3A_213 = arith.constant 0 : i32
      %dma_wait3A_214 = arith.constant 1 : i32
      %dma_wait3A_215 = arith.constant 0 : i32
      %dma_wait3A_216 = arith.constant 0 : i32
      %dma_wait3A_217 = tpu.memref_slice %arg6[%dma_wait3A_212, %dma_wait3A_213, %dma_wait3A_215, %dma_wait3A_216] : memref<2x2x200x64xf32, #tpu.memory_space<vmem>> -> memref<1x1x200x64xf32, #tpu.memory_space<vmem>>
      %dma_wait3A_218 = tpu.memref_squeeze %dma_wait3A_217 : memref<1x1x200x64xf32, #tpu.memory_space<vmem>> -> memref<200x64xf32, #tpu.memory_space<vmem>>
      %dma_wait3A_219 = tpu.memref_slice %arg5[%multiple_of3A_211] : memref<25600xi32, #tpu.memory_space<vmem>> -> memref<200xi32, #tpu.memory_space<vmem>>
      %dma_wait3A_220 = arith.constant 0 : i32
      %dma_wait3A_221 = arith.constant 0 : i32
      %dma_wait3A_222 = tpu.memref_slice %arg3[%dma_wait3A_220, %dma_wait3A_221] : memref<1000000x64xf32, #tpu.memory_space<hbm>> -> memref<1000000x64xf32, #tpu.memory_space<hbm>>
      %dma_wait3A_223 = tpu.memref_slice %arg7[%dma_wait3A_214] : memref<2x!tpu.dma_semaphore, #tpu.memory_space<semaphore_mem>> -> memref<1x!tpu.dma_semaphore, #tpu.memory_space<semaphore_mem>>
      %dma_wait3A_224 = tpu.memref_squeeze %dma_wait3A_223 : memref<1x!tpu.dma_semaphore, #tpu.memory_space<semaphore_mem>> -> memref<!tpu.dma_semaphore, #tpu.memory_space<semaphore_mem>>
      tpu.wait_indirect_dma semaphore(%dma_wait3A_224 : memref<!tpu.dma_semaphore, #tpu.memory_space<semaphore_mem>>) src(%dma_wait3A_222 : memref<1000000x64xf32, #tpu.memory_space<hbm>>) dst(%dma_wait3A_218 : memref<200x64xf32, #tpu.memory_space<vmem>>)
      %mul3A_225 = arith.constant 2 : i32
      %mul3A_226 = arith.muli %add3A_204, %mul3A_225 : i32
      %add3A_227 = arith.constant 1 : i32
      %add3A_228 = arith.addi %mul3A_226, %add3A_227 : i32
      %mul3A_229 = arith.constant 200 : i32
      %mul3A_230 = arith.muli %add3A_228, %mul3A_229 : i32
      %multiple_of3A_231 = tpu.assume_multiple %mul3A_230, 200 : i32
      %dma_wait3A_232 = arith.constant 1 : i32
      %dma_wait3A_233 = arith.constant 1 : i32
      %dma_wait3A_234 = arith.constant 1 : i32
      %dma_wait3A_235 = arith.constant 0 : i32
      %dma_wait3A_236 = arith.constant 0 : i32
      %dma_wait3A_237 = tpu.memref_slice %arg6[%dma_wait3A_232, %dma_wait3A_233, %dma_wait3A_235, %dma_wait3A_236] : memref<2x2x200x64xf32, #tpu.memory_space<vmem>> -> memref<1x1x200x64xf32, #tpu.memory_space<vmem>>
      %dma_wait3A_238 = tpu.memref_squeeze %dma_wait3A_237 : memref<1x1x200x64xf32, #tpu.memory_space<vmem>> -> memref<200x64xf32, #tpu.memory_space<vmem>>
      %dma_wait3A_239 = tpu.memref_slice %arg5[%multiple_of3A_231] : memref<25600xi32, #tpu.memory_space<vmem>> -> memref<200xi32, #tpu.memory_space<vmem>>
      %dma_wait3A_240 = arith.constant 0 : i32
      %dma_wait3A_241 = arith.constant 0 : i32
      %dma_wait3A_242 = tpu.memref_slice %arg3[%dma_wait3A_240, %dma_wait3A_241] : memref<1000000x64xf32, #tpu.memory_space<hbm>> -> memref<1000000x64xf32, #tpu.memory_space<hbm>>
      %dma_wait3A_243 = tpu.memref_slice %arg7[%dma_wait3A_234] : memref<2x!tpu.dma_semaphore, #tpu.memory_space<semaphore_mem>> -> memref<1x!tpu.dma_semaphore, #tpu.memory_space<semaphore_mem>>
      %dma_wait3A_244 = tpu.memref_squeeze %dma_wait3A_243 : memref<1x!tpu.dma_semaphore, #tpu.memory_space<semaphore_mem>> -> memref<!tpu.dma_semaphore, #tpu.memory_space<semaphore_mem>>
      tpu.wait_indirect_dma semaphore(%dma_wait3A_244 : memref<!tpu.dma_semaphore, #tpu.memory_space<semaphore_mem>>) src(%dma_wait3A_242 : memref<1000000x64xf32, #tpu.memory_space<hbm>>) dst(%dma_wait3A_238 : memref<200x64xf32, #tpu.memory_space<vmem>>)
      %jit3A_245 = arith.constant 200 : i32
      %div3A_246 = arith.divsi %multiple_of3A, %jit3A_245 : i32
      %sign3A_247 = arith.constant 0 : i32
      %sign3A_248 = arith.cmpi sgt, %multiple_of3A, %sign3A_247 : i32
      %sign3A_249 = arith.extui %sign3A_248 : i1 to i32
      %sign3A_250 = arith.constant 0 : i32
      %sign3A_251 = arith.cmpi slt, %multiple_of3A, %sign3A_250 : i32
      %sign3A_252 = arith.extui %sign3A_251 : i1 to i32
      %sign3A_253 = arith.subi %sign3A_249, %sign3A_252 : i32
      %sign3A_254 = arith.constant 0 : i32
      %sign3A_255 = arith.cmpi sgt, %jit3A_245, %sign3A_254 : i32
      %sign3A_256 = arith.extui %sign3A_255 : i1 to i32
      %sign3A_257 = arith.constant 0 : i32
      %sign3A_258 = arith.cmpi slt, %jit3A_245, %sign3A_257 : i32
      %sign3A_259 = arith.extui %sign3A_258 : i1 to i32
      %sign3A_260 = arith.subi %sign3A_256, %sign3A_259 : i32
      %ne3A_261 = arith.cmpi ne, %sign3A_253, %sign3A_260 : i32
      %rem3A_262 = arith.remsi %multiple_of3A, %jit3A_245 : i32
      %ne3A_263 = arith.constant 0 : i32
      %ne3A_264 = arith.cmpi ne, %rem3A_262, %ne3A_263 : i32
      %and3A_265 = arith.andi %ne3A_261, %ne3A_264 : i1
      %sub3A_266 = arith.constant 1 : i32
      %sub3A_267 = arith.subi %div3A_246, %sub3A_266 : i32
      %select_n3A_268 = arith.select %and3A_265, %sub3A_267, %div3A_246 : i32
      %mul3A_269 = arith.constant 2 : i32
      %mul3A_270 = arith.muli %add3A_204, %mul3A_269 : i32
      %add3A_271 = arith.addi %select_n3A_268, %mul3A_270 : i32
      %multiple_of3A_272 = tpu.assume_multiple %add3A_271, 2 : i32
      %dma_start3A_273 = arith.constant 1 : i32
      %dma_start3A_274 = arith.constant 1 : i32
      %dma_start3A_275 = arith.constant 0 : i32
      %dma_start3A_276 = arith.constant 0 : i32
      %dma_start3A_277 = arith.constant 0 : i32
      %dma_start3A_278 = tpu.memref_slice %arg6[%dma_start3A_273, %dma_start3A_275, %dma_start3A_276, %dma_start3A_277] : memref<2x2x200x64xf32, #tpu.memory_space<vmem>> -> memref<1x2x200x64xf32, #tpu.memory_space<vmem>>
      %dma_start3A_279 = tpu.memref_squeeze %dma_start3A_278 : memref<1x2x200x64xf32, #tpu.memory_space<vmem>> -> memref<2x200x64xf32, #tpu.memory_space<vmem>>
      %dma_start3A_280 = arith.constant 0 : i32
      %dma_start3A_281 = arith.constant 0 : i32
      %dma_start3A_282 = tpu.memref_slice %arg4[%multiple_of3A_272, %dma_start3A_280, %dma_start3A_281] : memref<4096x200x128xf32, #tpu.memory_space<hbm>> -> memref<2x200x64xf32, #tpu.memory_space<hbm>>
      %dma_start3A_283 = tpu.memref_slice %arg8[%dma_start3A_274] : memref<2x!tpu.dma_semaphore, #tpu.memory_space<semaphore_mem>> -> memref<1x!tpu.dma_semaphore, #tpu.memory_space<semaphore_mem>>
      %dma_start3A_284 = tpu.memref_squeeze %dma_start3A_283 : memref<1x!tpu.dma_semaphore, #tpu.memory_space<semaphore_mem>> -> memref<!tpu.dma_semaphore, #tpu.memory_space<semaphore_mem>>
      %dma_start3A_285 = arith.constant 0 : i32
      %dma_start3A_286 = arith.constant 0 : i32
      %dma_start3A_287 = tpu.memref_slice %arg4[%multiple_of3A_272, %dma_start3A_285, %dma_start3A_286] : memref<4096x200x128xf32, #tpu.memory_space<hbm>> -> memref<2x200x64xf32, #tpu.memory_space<hbm>>
      %dma_start3A_288 = arith.constant 0 : i32
      %dma_start3A_289 = arith.constant 0 : i32
      %dma_start3A_290 = arith.constant 0 : i32
      %dma_start3A_291 = tpu.memref_slice %arg6[%dma_start3A_273, %dma_start3A_288, %dma_start3A_289, %dma_start3A_290] : memref<2x2x200x64xf32, #tpu.memory_space<vmem>> -> memref<1x2x200x64xf32, #tpu.memory_space<vmem>>
      %dma_start3A_292 = tpu.memref_squeeze %dma_start3A_291 : memref<1x2x200x64xf32, #tpu.memory_space<vmem>> -> memref<2x200x64xf32, #tpu.memory_space<vmem>>
      tpu.enqueue_dma source(%dma_start3A_292 : memref<2x200x64xf32, #tpu.memory_space<vmem>>) target(%dma_start3A_287 : memref<2x200x64xf32, #tpu.memory_space<hbm>>) target_semaphore(%dma_start3A_284 : memref<!tpu.dma_semaphore, #tpu.memory_space<semaphore_mem>>)
      %jit3A_293 = arith.constant 200 : i32
      %div3A_294 = arith.divsi %multiple_of3A, %jit3A_293 : i32
      %sign3A_295 = arith.constant 0 : i32
      %sign3A_296 = arith.cmpi sgt, %multiple_of3A, %sign3A_295 : i32
      %sign3A_297 = arith.extui %sign3A_296 : i1 to i32
      %sign3A_298 = arith.constant 0 : i32
      %sign3A_299 = arith.cmpi slt, %multiple_of3A, %sign3A_298 : i32
      %sign3A_300 = arith.extui %sign3A_299 : i1 to i32
      %sign3A_301 = arith.subi %sign3A_297, %sign3A_300 : i32
      %sign3A_302 = arith.constant 0 : i32
      %sign3A_303 = arith.cmpi sgt, %jit3A_293, %sign3A_302 : i32
      %sign3A_304 = arith.extui %sign3A_303 : i1 to i32
      %sign3A_305 = arith.constant 0 : i32
      %sign3A_306 = arith.cmpi slt, %jit3A_293, %sign3A_305 : i32
      %sign3A_307 = arith.extui %sign3A_306 : i1 to i32
      %sign3A_308 = arith.subi %sign3A_304, %sign3A_307 : i32
      %ne3A_309 = arith.cmpi ne, %sign3A_301, %sign3A_308 : i32
      %rem3A_310 = arith.remsi %multiple_of3A, %jit3A_293 : i32
      %ne3A_311 = arith.constant 0 : i32
      %ne3A_312 = arith.cmpi ne, %rem3A_310, %ne3A_311 : i32
      %and3A_313 = arith.andi %ne3A_309, %ne3A_312 : i1
      %sub3A_314 = arith.constant 1 : i32
      %sub3A_315 = arith.subi %div3A_294, %sub3A_314 : i32
      %select_n3A_316 = arith.select %and3A_313, %sub3A_315, %div3A_294 : i32
      %mul3A_317 = arith.constant 2 : i32
      %mul3A_318 = arith.muli %add3A_204, %mul3A_317 : i32
      %add3A_319 = arith.addi %select_n3A_316, %mul3A_318 : i32
      %multiple_of3A_320 = tpu.assume_multiple %add3A_319, 2 : i32
      %dma_wait3A_321 = arith.constant 1 : i32
      %dma_wait3A_322 = arith.constant 1 : i32
      %dma_wait3A_323 = arith.constant 0 : i32
      %dma_wait3A_324 = arith.constant 0 : i32
      %dma_wait3A_325 = arith.constant 0 : i32
      %dma_wait3A_326 = tpu.memref_slice %arg6[%dma_wait3A_321, %dma_wait3A_323, %dma_wait3A_324, %dma_wait3A_325] : memref<2x2x200x64xf32, #tpu.memory_space<vmem>> -> memref<1x2x200x64xf32, #tpu.memory_space<vmem>>
      %dma_wait3A_327 = tpu.memref_squeeze %dma_wait3A_326 : memref<1x2x200x64xf32, #tpu.memory_space<vmem>> -> memref<2x200x64xf32, #tpu.memory_space<vmem>>
      %dma_wait3A_328 = arith.constant 0 : i32
      %dma_wait3A_329 = arith.constant 0 : i32
      %dma_wait3A_330 = tpu.memref_slice %arg4[%multiple_of3A_320, %dma_wait3A_328, %dma_wait3A_329] : memref<4096x200x128xf32, #tpu.memory_space<hbm>> -> memref<2x200x64xf32, #tpu.memory_space<hbm>>
      %dma_wait3A_331 = tpu.memref_slice %arg8[%dma_wait3A_322] : memref<2x!tpu.dma_semaphore, #tpu.memory_space<semaphore_mem>> -> memref<1x!tpu.dma_semaphore, #tpu.memory_space<semaphore_mem>>
      %dma_wait3A_332 = tpu.memref_squeeze %dma_wait3A_331 : memref<1x!tpu.dma_semaphore, #tpu.memory_space<semaphore_mem>> -> memref<!tpu.dma_semaphore, #tpu.memory_space<semaphore_mem>>
      %dma_wait3A_333 = arith.constant 0 : i32
      %dma_wait3A_334 = arith.constant 0 : i32
      %dma_wait3A_335 = tpu.memref_slice %arg4[%multiple_of3A_320, %dma_wait3A_333, %dma_wait3A_334] : memref<4096x200x128xf32, #tpu.memory_space<hbm>> -> memref<2x200x64xf32, #tpu.memory_space<hbm>>
      %dma_wait3A_336 = arith.constant 0 : i32
      %dma_wait3A_337 = arith.constant 0 : i32
      %dma_wait3A_338 = arith.constant 0 : i32
      %dma_wait3A_339 = tpu.memref_slice %arg6[%dma_wait3A_321, %dma_wait3A_336, %dma_wait3A_337, %dma_wait3A_338] : memref<2x2x200x64xf32, #tpu.memory_space<vmem>> -> memref<1x2x200x64xf32, #tpu.memory_space<vmem>>
      %dma_wait3A_340 = tpu.memref_squeeze %dma_wait3A_339 : memref<1x2x200x64xf32, #tpu.memory_space<vmem>> -> memref<2x200x64xf32, #tpu.memory_space<vmem>>
      tpu.wait_dma2 semaphore(%dma_wait3A_332 : memref<!tpu.dma_semaphore, #tpu.memory_space<semaphore_mem>>) src(%dma_wait3A_340 : memref<2x200x64xf32, #tpu.memory_space<vmem>>) dst(%dma_wait3A_335 : memref<2x200x64xf32, #tpu.memory_space<hbm>>)
      %add3A_341 = arith.constant 2 : i32
      %add3A_342 = arith.addi %add3A_204, %add3A_341 : i32
      %lt3A_343 = arith.constant 64 : i32
      %lt3A_344 = arith.cmpi slt, %add3A_342, %lt3A_343 : i32
      %convert_element_type3A_345 = arith.extui %lt3A_344 : i1 to i32
      %cond3A_346 = arith.constant 0 : i32
      %cond3A_347 = arith.cmpi ne, %convert_element_type3A_345, %cond3A_346 : i32
      scf.if %cond3A_347 {
        %add3A_348 = arith.constant 2 : i32
        %add3A_349 = arith.addi %add3A_204, %add3A_348 : i32
        %mul3A_350 = arith.constant 2 : i32
        %mul3A_351 = arith.muli %add3A_349, %mul3A_350 : i32
        %add3A_352 = arith.constant 0 : i32
        %add3A_353 = arith.addi %mul3A_351, %add3A_352 : i32
        %mul3A_354 = arith.constant 200 : i32
        %mul3A_355 = arith.muli %add3A_353, %mul3A_354 : i32
        %multiple_of3A_356 = tpu.assume_multiple %mul3A_355, 200 : i32
        %dma_start3A_357 = arith.constant 1 : i32
        %dma_start3A_358 = arith.constant 0 : i32
        %dma_start3A_359 = arith.constant 1 : i32
        %dma_start3A_360 = arith.constant 0 : i32
        %dma_start3A_361 = arith.constant 0 : i32
        %dma_start3A_362 = tpu.memref_slice %arg6[%dma_start3A_357, %dma_start3A_358, %dma_start3A_360, %dma_start3A_361] : memref<2x2x200x64xf32, #tpu.memory_space<vmem>> -> memref<1x1x200x64xf32, #tpu.memory_space<vmem>>
        %dma_start3A_363 = tpu.memref_squeeze %dma_start3A_362 : memref<1x1x200x64xf32, #tpu.memory_space<vmem>> -> memref<200x64xf32, #tpu.memory_space<vmem>>
        %dma_start3A_364 = tpu.memref_slice %arg5[%multiple_of3A_356] : memref<25600xi32, #tpu.memory_space<vmem>> -> memref<200xi32, #tpu.memory_space<vmem>>
        %dma_start3A_365 = arith.constant 0 : i32
        %dma_start3A_366 = arith.constant 0 : i32
        %dma_start3A_367 = tpu.memref_slice %arg3[%dma_start3A_365, %dma_start3A_366] : memref<1000000x64xf32, #tpu.memory_space<hbm>> -> memref<1000000x64xf32, #tpu.memory_space<hbm>>
        %dma_start3A_368 = tpu.memref_slice %arg7[%dma_start3A_359] : memref<2x!tpu.dma_semaphore, #tpu.memory_space<semaphore_mem>> -> memref<1x!tpu.dma_semaphore, #tpu.memory_space<semaphore_mem>>
        %dma_start3A_369 = tpu.memref_squeeze %dma_start3A_368 : memref<1x!tpu.dma_semaphore, #tpu.memory_space<semaphore_mem>> -> memref<!tpu.dma_semaphore, #tpu.memory_space<semaphore_mem>>
        tpu.enqueue_indirect_dma source(%dma_start3A_367 : memref<1000000x64xf32, #tpu.memory_space<hbm>>) target(%dma_start3A_363 : memref<200x64xf32, #tpu.memory_space<vmem>>) offsets(%dma_start3A_364 : memref<200xi32, #tpu.memory_space<vmem>>) semaphore(%dma_start3A_369 : memref<!tpu.dma_semaphore, #tpu.memory_space<semaphore_mem>>)
        %mul3A_370 = arith.constant 2 : i32
        %mul3A_371 = arith.muli %add3A_349, %mul3A_370 : i32
        %add3A_372 = arith.constant 1 : i32
        %add3A_373 = arith.addi %mul3A_371, %add3A_372 : i32
        %mul3A_374 = arith.constant 200 : i32
        %mul3A_375 = arith.muli %add3A_373, %mul3A_374 : i32
        %multiple_of3A_376 = tpu.assume_multiple %mul3A_375, 200 : i32
        %dma_start3A_377 = arith.constant 1 : i32
        %dma_start3A_378 = arith.constant 1 : i32
        %dma_start3A_379 = arith.constant 1 : i32
        %dma_start3A_380 = arith.constant 0 : i32
        %dma_start3A_381 = arith.constant 0 : i32
        %dma_start3A_382 = tpu.memref_slice %arg6[%dma_start3A_377, %dma_start3A_378, %dma_start3A_380, %dma_start3A_381] : memref<2x2x200x64xf32, #tpu.memory_space<vmem>> -> memref<1x1x200x64xf32, #tpu.memory_space<vmem>>
        %dma_start3A_383 = tpu.memref_squeeze %dma_start3A_382 : memref<1x1x200x64xf32, #tpu.memory_space<vmem>> -> memref<200x64xf32, #tpu.memory_space<vmem>>
        %dma_start3A_384 = tpu.memref_slice %arg5[%multiple_of3A_376] : memref<25600xi32, #tpu.memory_space<vmem>> -> memref<200xi32, #tpu.memory_space<vmem>>
        %dma_start3A_385 = arith.constant 0 : i32
        %dma_start3A_386 = arith.constant 0 : i32
        %dma_start3A_387 = tpu.memref_slice %arg3[%dma_start3A_385, %dma_start3A_386] : memref<1000000x64xf32, #tpu.memory_space<hbm>> -> memref<1000000x64xf32, #tpu.memory_space<hbm>>
        %dma_start3A_388 = tpu.memref_slice %arg7[%dma_start3A_379] : memref<2x!tpu.dma_semaphore, #tpu.memory_space<semaphore_mem>> -> memref<1x!tpu.dma_semaphore, #tpu.memory_space<semaphore_mem>>
        %dma_start3A_389 = tpu.memref_squeeze %dma_start3A_388 : memref<1x!tpu.dma_semaphore, #tpu.memory_space<semaphore_mem>> -> memref<!tpu.dma_semaphore, #tpu.memory_space<semaphore_mem>>
        tpu.enqueue_indirect_dma source(%dma_start3A_387 : memref<1000000x64xf32, #tpu.memory_space<hbm>>) target(%dma_start3A_383 : memref<200x64xf32, #tpu.memory_space<vmem>>) offsets(%dma_start3A_384 : memref<200xi32, #tpu.memory_space<vmem>>) semaphore(%dma_start3A_389 : memref<!tpu.dma_semaphore, #tpu.memory_space<semaphore_mem>>)
      } else {
      }
    }
    %scan3A_66 = arith.constant 32 : i32
    return
  }
}

</mosaic_0001>

<sc_bundles>
// kernel: _emb.3.cloned.1.call-start
scs
__scs_entry_jumppad:
0x0: {  	(pc) =	sbr.rel $0x88, $3  }
0x1: {  	(tag) =	ssettag $0x0;
	lr =	simm.s32 $0x1  }
0x2: {  	[smem:$0x3F9F] =	sst lr;
	_ =	strace $0xD0000000  }
0x3: {  	_ = 	snop  }
0x4: {  	_ = 	snop  }
0x5: {  	_ = 	snop  }
0x6: {  	_ = 	snop  }
0x7: {  	_ = 	snop  }
__scs_overlays_trampoline_lowered:
0x8: {  	[smem:$0x3FAE] =	sst s0  }
0x9: {  	[smem:$0x3FAF] =	sst s1  }
0xa: {  	[smem:$0x3FB0] =	sst s2  }
0xb: {  	[smem:$0x3FB1] =	sst s3  }
0xc: {  	[smem:$0x3FB2] =	sst s4  }
0xd: {  	[smem:$0x3FB3] =	sst s5  }
0xe: {  	[smem:$0x3FB4] =	sst s6  }
0xf: {  	[smem:$0x3FB5] =	sst s7  }
0x10: {  	[smem:$0x3FB6] =	sst s8  }
0x11: {  	[smem:$0x3FB7] =	sst s9;
	s0 =	simm.s32 @!p0 $0x0  }
0x12: {  	s1 =	sld [smem:$0x3F9D];
	s0 =	simm.s32 @p0 $0x1  }
0x13: {  	[smem:$0x3FB8] =	sst s0;
	s0 =	simm.s32 @!p1 $0x0  }
0x14: {  	s2 =	sld [smem:$0x3F9C];
	s0 =	simm.s32 @p1 $0x1  }
0x15: {  	[smem:$0x3FB9] =	sst s0;
	s0 =	simm.s32 @!p2 $0x0  }
0x16: {  	s3 =	sld [smem:$0x3FDB];
	s0 =	simm.s32 @p2 $0x1  }
0x17: {  	s4 =	simm.s32 $0x1BF5;
	[smem:$0x3FBB] =	sst s0  }
0x18: {  	s0 =	sld [smem:$0x3F9E];
	_ =	swait.ge [sflag:s4], $0x0  }
0x19: {  	s7 =	sld [smem:$0x3F9F]  }
0x1a: {  	s8 =	sadd.s32 $0xFFFFE003, lr  }
0x1b: {  	s9 =	sadd.s32 $0xFFFFFEF7, lr;
	s5 =	simm.s32 $0xFFFFFFFF;
	p2 =	slt.u32 s8, $0xFFFFF086  }
0x1c: {  	p1 =	slt.u32 s9, $0xF7A;
	s5 =	simm.s32 @!p2 $0x0  }
0x1d: {  	s5 =	simm.s32 @p1 $0x1;
	p0 =	seq.s32 s7, s2  }
0x1e: {  	s7 =	smul.u32 @!p0 $0xF7A, s2;
	p2 =	seq.s32 @!p0 s5, $0x0  }
0x1f: {  	s9 =	smul.u32 $0xF7A, s1;
	s8 =	simm.s32 @!p0 $0x1BF5;
	p2 =	por !p2, p0  }
0x20: {  	[sflag:s8] =	ssyncset.s32 @!p0 $0xFFFFF086;
	s6 =	sadd.s32 @!p0 s3, s7;
	s7 =	simm.s32 @!p0 $0x108  }
0x21: {  	s3 =	sadd.s32 s3, s9;
	s6 =	sadd.s32 @!p0 $0x88, s6;
	s7 =	simm.s32 @p2 $0x1082  }
0x22: {  	[simem:s7], [sflag:s8] =	dma.local @!p0 [hbm:s6], $0xF7A  }
0x23: {  	s9 =	sor.u32 $0xD0000000, s2;
	s6 =	simm.s32 $0x108;
	_ =	swait.ge @!p0 [sflag:s8], $0x0  }
0x24: {  	s3 =	sadd.s32 $0x88, s3;
	s6 =	simm.s32 @!p1 $0x1082;
	[sflag:s4] =	ssyncset.s32 $0xFFFFF086  }
0x25: {  	[simem:s6], [sflag:s4] =	dma.local [hbm:s3], $0xF7A  }
0x26: {  	[smem:$0x3F9F] =	sst s1;
	(tag) =	ssettag s2;
	_ =	strace s9  }
0x27: {  	s1 =	sld [smem:$0x3FAF]  }
0x28: {  	s2 =	sld [smem:$0x3FB0]  }
0x29: {  	s4 =	sld [smem:$0x3FB2]  }
0x2a: {  	p0 =	seq.s32 s5, $0x0;
	s5 =	sld [smem:$0x3FB3]  }
0x2b: {  	s6 =	sld [smem:$0x3FB4]  }
0x2c: {  	s7 =	sld [smem:$0x3FB5]  }
0x2d: {  	s3 =	simm.s32 $0x108;
	s8 =	sld [smem:$0x3FB6]  }
0x2e: {  	s3 =	simm.s32 @!p0 $0x1082;
	s9 =	sld [smem:$0x3FB7]  }
0x2f: {  	lr =	sadd.s32 s0, s3;
	s0 =	sld [smem:$0x3FAE]  }
0x30: {  	s3 =	sld [smem:$0x3FB1]  }
0x31: {  	[smem:$0x3FBA] =	sst s10  }
0x32: {  	s10 =	sld [smem:$0x3FB8];
	_ =	sdelay $0x3  }
0x33: {  	p0 =	seq.s32 s10, $0x1;
	s10 =	sld [smem:$0x3FBA];
	_ =	sdelay $0x3  }
0x34: {  	[smem:$0x3FBA] =	sst s10  }
0x35: {  	s10 =	sld [smem:$0x3FB9];
	_ =	sdelay $0x3  }
0x36: {  	p1 =	seq.s32 s10, $0x1;
	s10 =	sld [smem:$0x3FBA];
	_ =	sdelay $0x3  }
0x37: {  	[smem:$0x3FBA] =	sst s10  }
0x38: {  	s10 =	sld [smem:$0x3FBB]  }
0x39: {  	_ = 	snop;
	(pc) =	sbr.ind lr, $3  }
0x3a: {  	_ = 	snop  }
0x3b: {  	_ = 	snop  }
0x3c: {  	p2 =	seq.s32 s10, $0x1;
	s10 =	sld [smem:$0x3FBA]  }
0x3d: {  	_ =	shalt  }
0x3e: {  	_ =	shalt  }
0x3f: {  	_ =	shalt  }
0x40: {  	_ =	shalt  }
0x41: {  	_ =	shalt  }
0x42: {  	_ =	shalt  }
0x43: {  	_ =	shalt  }
0x44: {  	_ =	shalt  }
0x45: {  	_ =	shalt  }
0x46: {  	_ =	shalt  }
0x47: {  	_ =	shalt  }
0x48: {  	_ =	shalt  }
0x49: {  	_ =	shalt  }
0x4a: {  	_ =	shalt  }
0x4b: {  	_ =	shalt  }
0x4c: {  	_ =	shalt  }
0x4d: {  	_ =	shalt  }
0x4e: {  	_ =	shalt  }
0x4f: {  	_ =	shalt  }
0x50: {  	_ =	shalt  }
0x51: {  	_ =	shalt  }
0x52: {  	_ =	shalt  }
0x53: {  	_ =	shalt  }
0x54: {  	_ =	shalt  }
0x55: {  	_ =	shalt  }
0x56: {  	_ =	shalt  }
0x57: {  	_ =	shalt  }
0x58: {  	_ =	shalt  }
0x59: {  	_ =	shalt  }
0x5a: {  	_ =	shalt  }
0x5b: {  	_ =	shalt  }
0x5c: {  	_ =	shalt  }
0x5d: {  	_ =	shalt  }
0x5e: {  	_ =	shalt  }
0x5f: {  	_ =	shalt  }
0x60: {  	_ =	shalt  }
0x61: {  	_ =	shalt  }
0x62: {  	_ =	shalt  }
0x63: {  	_ =	shalt  }
0x64: {  	_ =	shalt  }
0x65: {  	_ =	shalt  }
0x66: {  	_ =	shalt  }
0x67: {  	_ =	shalt  }
0x68: {  	_ =	shalt  }
0x69: {  	_ =	shalt  }
0x6a: {  	_ =	shalt  }
0x6b: {  	_ =	shalt  }
0x6c: {  	_ =	shalt  }
0x6d: {  	_ =	shalt  }
0x6e: {  	_ =	shalt  }
0x6f: {  	_ =	shalt  }
0x70: {  	_ =	shalt  }
0x71: {  	_ =	shalt  }
0x72: {  	_ =	shalt  }
0x73: {  	_ =	shalt  }
0x74: {  	_ =	shalt  }
0x75: {  	_ =	shalt  }
0x76: {  	_ =	shalt  }
0x77: {  	_ =	shalt  }
0x78: {  	_ =	shalt  }
0x79: {  	_ =	shalt  }
0x7a: {  	_ =	shalt  }
0x7b: {  	_ =	shalt  }
0x7c: {  	_ =	shalt  }
0x7d: {  	_ =	shalt  }
0x7e: {  	_ =	shalt  }
0x7f: {  	_ =	shalt  }
0x80: {  	_ =	shalt  }
0x81: {  	_ =	shalt  }
0x82: {  	_ =	shalt  }
0x83: {  	_ =	shalt  }
0x84: {  	_ =	shalt  }
0x85: {  	_ =	shalt  }
0x86: {  	_ =	shalt  }
0x87: {  	_ =	shalt  }
.Lfunc_end0:
.L_simem_size_0:
called_computation_lowered:
.L_overlay_start_0:
0x88: {  	s2 =	sld [smem:$0x3FD9]  }
0x89: {  	s3 =	sld [smem:$0x3FFE];
	_ =	sdelay $0x1  }
0x8a: {  	s1 =	srdreg.scid  }
0x8b: {  	s0 =	sand.u32 $0x1, s1  }
0x8c: {  	s17 =	sshll.u32 s0, $0xA;
	s2 =	sadd.s32 s3, s2  }
0x8d: {  	s2 =	sadd.s32 s2, s17  }
0x8e: {  	[smem:$0x3FC6] =	sst s2  }
0x8f: {  	_ = 	snop  }
0x90: {  	s2 =	sld [smem:$0x3FC9]  }
0x91: {  	s18 =	sld [smem:$0x3FD0];
	(tm) =	ssettm $0x1  }
0x92: {  	s4 =	sld [smem:$0x3FFB];
	_ =	sdelay $0x3  }
0x93: {  	_ =	strace s4  }
0x94: {  	s4 =	sld [smem:$0x3FFC];
	_ =	sdelay $0x3  }
0x95: {  	_ =	strace s4  }
0x96: {  	s4 =	sld [smem:$0x3FFD];
	_ =	sdelay $0x3  }
0x97: {  	_ =	strace s4  }
0x98: {  	_ =	strace $0x8FFFFFFF  }
0x99: {  	s19 =	sld [smem:$0x3FDB];
	_ =	sdelay $0x1  }
0x9a: {  	s5 =	simm.s32 $_scs_section_size  }
0x9b: {  	s6 =	simm.s32 $_size__tile_overlayer_lowered;
	s7 =	simm.s32 $_tile_overlayer_lowered  }
0x9c: {  	s22 =	simm.s32 $0x1BFF;
	s21 =	sshll.u32 s7, $0x1;
	s4 =	sadd.s32 s5, s19  }
0x9d: {  	s8 =	simm.s32 $0x0;
	s20 =	sshll.u32 s6, $0x1;
	s6 =	sadd.s32 s21, s4  }
0x9e: {  	[timem:s8], [sflag:s22] =	dma.local [hbm:s6], s20  }
0x9f: {  	_ =	swait.ge [sflag:s22], s20  }
0xa0: {  	s5 =	ssub.s32 $0x0, s20;
	[sflag:s22] =	ssyncset.done $0x0  }
0xa1: {  	[sflag:s22] =	ssyncadd.s32 s5;
	_ =	sdelay $0x1  }
0xa2: {  	s23 =	simm.s32 $0x1B8B  }
0xa3: {  	_ =	swait.ge [sflag:s23], $0x1  }
0xa4: {  	[sflag:s23] =	ssyncset.done $0x0  }
0xa5: {  	s25 =	simm.s32 $0x1B8E;
	s24 =	sld [smem:$0x3FFE];
	[sflag:s23] =	ssyncadd.s32 $0xFFFFFFFF  }
0xa6: {  	s26 =	simm.s32 $execute0_lowered;
	[smem:$0x3FD2] =	sst s25  }
0xa7: {  	s6 =	sshll.u32 s26, $0x1;
	_ =	strace $0x80000046;
	[dreg:$0x1] =	wrdreg $0xFFFFFFFF  }
0xa8: {  	s28 =	simm.s32 $_size_execute0_lowered;
	s4 =	sadd.s32 s4, s6;
	[dreg:$0x0] =	wrdreg $0x0  }
0xa9: {  	s6 =	sshll.u32 s28, $0x1;
	[dreg:$0x2] =	wrdreg s4  }
0xaa: {  	[dreg:$0x3] =	wrdreg s6  }
0xab: {  	[dreg:$0x4] =	wrdreg $0xC0  }
0xac: {  	_ =	task [dreg:s8], $0x5FFFF  }
0xad: {  	[dreg:$0x1] =	wrdreg $0xFFFFFFFF  }
0xae: {  	[dreg:$0x0] =	wrdreg $0x60  }
0xaf: {  	[dreg:$0x2] =	wrdreg s2  }
0xb0: {  	[dreg:$0x3] =	wrdreg s24  }
0xb1: {  	[dreg:$0x4] =	wrdreg s18  }
0xb2: {  	[dreg:$0x5] =	wrdreg $0x9  }
0xb3: {  	_ =	task.clear_ibuf [dreg:s8], $0x6FFFF;
	_ =	strace $0x90000046  }
0xb4: {  	s29 =	simm.s32 $0x9;
	_ =	strace $0x80000048  }
0xb5: {  	_ =	swait.ge [sflag:s29], $0x1  }
0xb6: {  	[sflag:s29] =	ssyncadd.s32 $0xFFFFFFFF  }
0xb7: {  	_ =	strace $0x90000048  }
0xb8: {  	_ =	sfence  }
0xb9: {  	s30 =	sld [smem:$0x0];
	_ =	sdelay $0x2  }
0xba: {  	s31 =	sshll.u32 s1, $0xD;
	s1 =	sshrl.u32 s1, $0x2  }
0xbb: {  	s3 =	sand.u32 $0x4000, s31;
	s1 =	sadd.s32 s1, s30  }
0xbc: {  	s0 =	sor.u32 s3, s0;
	s1 =	sshll.u32 s1, $0x11  }
0xbd: {  	s0 =	sor.u32 s1, s0  }
0xbe: {  	s0 =	sadd.s32 $0x8F2B, s0  }
0xbf: {  	[sflag:s0] =	ssyncadd.remote.s32 $0x1  }
0xc0: {  	_ =	sfence.sel $0xFFFF  }
0xc1: {  	[dreg:$0x0] =	wrdreg $0xFFFFFFFF;
	(pc) =	sbr.abs _section_cstart, $3  }
0xc2: {  	[dreg:$0x1] =	wrdreg $0xFFFFFFFF  }
0xc3: {  	_ =	task.clear_ibuf [dreg:s8], $0x2FFFF;
	_ =	strace $0x9FFFFFFF  }
0xc4: {  	(tm) =	ssettm $0x7FFFFFFF  }
0xc5: {  	_ =	shalt  }
tec
execute0_lowered:
.L_overlay_start_1:
0x0: {  	(tag) =	ssettag $0x1  }
0x1: {  	s4 =	rddreg [dreg:$0x0]  }
0x2: {  	s3 =	rddreg [dreg:$0x1];
	s1 =	srdreg.scid  }
0x3: {  	s0 =	stileid.u32;
	s6 =	rddreg [dreg:$0x2];
	s2 =	simm.s32 $0x0  }
0x4: {  	s12 =	simm.s32 $0x9600;
	s13 =	simm.s32 $0x190;
	s14 =	simm.s32 $0xC800  }
0x5: {  	s15 =	simm.s32 $0x258;
	s16 =	simm.s32 $0xFA00;
	s17 =	simm.s32 $0x1  }
0x6: {  	s18 =	simm.s32 $0x40;
	s19 =	simm.s32 $0x80;
	s20 =	simm.s32 $0x3  }
0x7: {  	s21 =	simm.s32 $0x2;
	s22 =	simm.s32 $0x4;
	s23 =	simm.s32 $0x0  }
0x8: {  	s5 =	sand.u32 $0x1, s1;
	s7 =	sshll.u32 s0, $0x1;
	s11 =	smul.u32 $0xC8000, s0  }
0x9: {  	s1 =	rddreg [dreg:$0x3];
	s7 =	sor.u32 s5, s7;
	s30 =	smul.u32 $0x64000, s5  }
0xa: {  	[smem:$0x7FF] =	sst s2;
	s3 =	sadd.s32 $0xF42800, s3;
	s8 =	smul.u32 $0xC80, s7  }
0xb: {  	_ =	strace $0x80000047;
	s9 =	ssub.s32 $0x2, s5;
	s7 =	smul.u32 $0x64000, s7  }
0xc: {  	s10 =	sshrl.u32 s9, $0x1;
	s31 =	sadd.s32 s11, s6;
	s11 =	simm.s32 $0x6400  }
0xd: {  	s9 =	ssub.s32 s9, s10;
	s10 =	simm.s32 $0xC8;
	s4 =	sadd.s32 s4, s8  }
0xe: {  	s5 =	smax.u32 s9, $0x1;
	s7 =	sadd.s32 s6, s7;
	s8 =	sadd.s32 s30, s31  }
0xf: {  	s9 =	simm.s32 $0x5;
	s6 =	sadd.s32 $0x60E00, s7;
	s7 =	sadd.s32 $0x62700, s7  }
.LBB2_1:
0x10: {  	[tilespmem:s2], [sflag:$0x5] =	stream.linear.gather [hbm4b:s4+s2], $0x6400, $0x38;
	[tilespmem:$0x12C00] =	vst v63  }
0x11: {  	_ =	swait.ge [sflag:s9], $0x6400  }
0x12: {  	[sflag:s9] =	ssyncset.done $0x0  }
0x13: {  	[sflag:s9] =	ssyncadd.s32 $0xFFFF9C00  }
0x14: {  	[tilespmem:s11], [sflag:$0x1] =	stream.indirect.gather [hbm4b:s3+s10], $0x40, s2, s10, $0xb8;
	[tilespmem:$0x12C00] =	vst v63  }
0x15: {  	_ = 	snop  }
0x16: {  	[tilespmem:s12], [sflag:$0x1] =	stream.indirect.gather [hbm4b:s3+s10], $0x40, s10, s10, $0xb8;
	[tilespmem:$0x12C00] =	vst v63  }
0x17: {  	_ = 	snop  }
0x18: {  	[tilespmem:s14], [sflag:$0x2] =	stream.indirect.gather [hbm4b:s3+s10], $0x40, s13, s10, $0xb8;
	[tilespmem:$0x12C00] =	vst v63  }
0x19: {  	_ = 	snop  }
0x1a: {  	[tilespmem:s16], [sflag:$0x2] =	stream.indirect.gather [hbm4b:s3+s10], $0x40, s15, s10, $0xb8;
	[tilespmem:$0x12C00] =	vst v63  }
0x1b: {  	_ =	swait.ge [sflag:s17], $0x3200  }
0x1c: {  	[sflag:s17] =	ssyncset.done $0x0  }
0x1d: {  	[sflag:s17] =	ssyncadd.s32 $0xFFFFCE00  }
0x1e: {  	_ =	swait.ge [sflag:s17], $0x3200  }
0x1f: {  	[sflag:s17] =	ssyncset.done $0x0  }
0x20: {  	[sflag:s17] =	ssyncadd.s32 $0xFFFFCE00  }
0x21: {  	[hbm4b:s8+s18] =	stream.strided.scatter [tilespmem:s11], [sflag:$0x3], $0x6400, s19, s18, $0x38;
	[tilespmem:$0x12C00] =	vst v63  }
0x22: {  	_ =	swait.ge [sflag:s20], $0x6400  }
0x23: {  	[sflag:s20] =	ssyncset.done $0x0  }
0x24: {  	s24 =	simm.s32 $0x320;
	[sflag:s20] =	ssyncadd.s32 $0xFFFF9C00  }
0x25: {  	[tilespmem:s11], [sflag:$0x1] =	stream.indirect.gather [hbm4b:s3+s10], $0x40, s24, s10, $0xb8;
	[tilespmem:$0x12C00] =	vst v63  }
0x26: {  	s29 =	simm.s32 $0x3E8  }
0x27: {  	[tilespmem:s12], [sflag:$0x1] =	stream.indirect.gather [hbm4b:s3+s10], $0x40, s29, s10, $0xb8;
	[tilespmem:$0x12C00] =	vst v63  }
0x28: {  	_ =	swait.ge [sflag:s21], $0x3200  }
0x29: {  	[sflag:s21] =	ssyncset.done $0x0  }
0x2a: {  	[sflag:s21] =	ssyncadd.s32 $0xFFFFCE00  }
0x2b: {  	_ =	swait.ge [sflag:s21], $0x3200  }
0x2c: {  	[sflag:s21] =	ssyncset.done $0x0  }
0x2d: {  	s30 =	sadd.s32 $0x1900, s8;
	[sflag:s21] =	ssyncadd.s32 $0xFFFFCE00  }
0x2e: {  	[hbm4b:s30+s18] =	stream.strided.scatter [tilespmem:s14], [sflag:$0x4], $0x6400, s19, s18, $0x38;
	[tilespmem:$0x12C00] =	vst v63  }
0x2f: {  	_ =	swait.ge [sflag:s22], $0x6400  }
0x30: {  	s31 =	simm.s32 $0x4B0;
	s26 =	simm.s32 $0x578;
	[sflag:s22] =	ssyncset.done $0x0  }
0x31: {  	s25 =	sadd.s32 $0x3200, s8;
	s24 =	simm.s32 $0xC80;
	[sflag:s22] =	ssyncadd.s32 $0xFFFF9C00  }
0x32: {  	[tilespmem:s14], [sflag:$0x2] =	stream.indirect.gather [hbm4b:s3+s10], $0x40, s31, s10, $0xb8;
	[tilespmem:$0x12C00] =	vst v63  }
.LBB2_2:
0x33: {  	[tilespmem:s16], [sflag:$0x2] =	stream.indirect.gather [hbm4b:s3+s10], $0x40, s26, s10, $0xb8;
	[tilespmem:$0x12C00] =	vst v63  }
0x34: {  	s26 =	smov.u32 s24  }
0x35: {  	p0 =	sne.s32 s24, $0x17700;
	s24 =	sadd.s32 $0xC80, s24;
	_ =	swait.ge [sflag:s17], $0x3200  }
0x36: {  	[sflag:s17] =	ssyncset.done $0x0  }
0x37: {  	[sflag:s17] =	ssyncadd.s32 $0xFFFFCE00  }
0x38: {  	_ =	swait.ge [sflag:s17], $0x3200  }
0x39: {  	[sflag:s17] =	ssyncset.done $0x0  }
0x3a: {  	[sflag:s17] =	ssyncadd.s32 $0xFFFFCE00  }
0x3b: {  	[hbm4b:s25+s18] =	stream.strided.scatter [tilespmem:s11], [sflag:$0x3], $0x6400, s19, s18, $0x38;
	[tilespmem:$0x12C00] =	vst v63  }
0x3c: {  	_ =	swait.ge [sflag:s20], $0x6400  }
0x3d: {  	s26 =	sshra.s32 s26, $0x2;
	[sflag:s20] =	ssyncset.done $0x0  }
0x3e: {  	s28 =	sadd.s32 $0x320, s26;
	[sflag:s20] =	ssyncadd.s32 $0xFFFF9C00  }
0x3f: {  	[tilespmem:s11], [sflag:$0x1] =	stream.indirect.gather [hbm4b:s3+s10], $0x40, s28, s10, $0xb8;
	[tilespmem:$0x12C00] =	vst v63  }
0x40: {  	s28 =	sadd.s32 $0x3E8, s26  }
0x41: {  	[tilespmem:s12], [sflag:$0x1] =	stream.indirect.gather [hbm4b:s3+s10], $0x40, s28, s10, $0xb8;
	[tilespmem:$0x12C00] =	vst v63  }
0x42: {  	_ =	swait.ge [sflag:s21], $0x3200  }
0x43: {  	[sflag:s21] =	ssyncset.done $0x0  }
0x44: {  	[sflag:s21] =	ssyncadd.s32 $0xFFFFCE00  }
0x45: {  	_ =	swait.ge [sflag:s21], $0x3200  }
0x46: {  	[sflag:s21] =	ssyncset.done $0x0  }
0x47: {  	s28 =	sadd.s32 $0x1900, s25;
	[sflag:s21] =	ssyncadd.s32 $0xFFFFCE00  }
0x48: {  	[hbm4b:s28+s18] =	stream.strided.scatter [tilespmem:s14], [sflag:$0x4], $0x6400, s19, s18, $0x38;
	[tilespmem:$0x12C00] =	vst v63  }
.Ltmp0:
0x49: {  	_ =	swait.ge [sflag:s22], $0x6400;
	(pc) =	sbr.rel @p0 .LBB2_2-.Ltmp0, $4  }
0x4a: {  	[sflag:s22] =	ssyncset.done $0x0  }
0x4b: {  	s28 =	sadd.s32 $0x4B0, s26;
	[sflag:s22] =	ssyncadd.s32 $0xFFFF9C00  }
0x4c: {  	[tilespmem:s14], [sflag:$0x2] =	stream.indirect.gather [hbm4b:s3+s10], $0x40, s28, s10, $0xb8;
	[tilespmem:$0x12C00] =	vst v63  }
0x4d: {  	s25 =	sadd.s32 $0x3200, s25;
	s26 =	sadd.s32 $0x578, s26  }
0x4e: {  	[tilespmem:s16], [sflag:$0x2] =	stream.indirect.gather [hbm4b:s3+s10], $0x40, s26, s10, $0xb8;
	[tilespmem:$0x12C00] =	vst v63  }
0x4f: {  	_ =	swait.ge [sflag:s17], $0x3200  }
0x50: {  	[sflag:s17] =	ssyncset.done $0x0  }
0x51: {  	[sflag:s17] =	ssyncadd.s32 $0xFFFFCE00  }
0x52: {  	_ =	swait.ge [sflag:s17], $0x3200  }
0x53: {  	[sflag:s17] =	ssyncset.done $0x0  }
0x54: {  	[sflag:s17] =	ssyncadd.s32 $0xFFFFCE00  }
0x55: {  	[hbm4b:s6+s18] =	stream.strided.scatter [tilespmem:s11], [sflag:$0x3], $0x6400, s19, s18, $0x38;
	[tilespmem:$0x12C00] =	vst v63  }
0x56: {  	_ =	swait.ge [sflag:s20], $0x6400  }
0x57: {  	[sflag:s20] =	ssyncset.done $0x0  }
0x58: {  	[sflag:s20] =	ssyncadd.s32 $0xFFFF9C00  }
0x59: {  	_ =	swait.ge [sflag:s21], $0x3200  }
0x5a: {  	[sflag:s21] =	ssyncset.done $0x0  }
0x5b: {  	[sflag:s21] =	ssyncadd.s32 $0xFFFFCE00  }
0x5c: {  	s23 =	sadd.s32 $0x1, s23;
	_ =	swait.ge [sflag:s21], $0x3200  }
0x5d: {  	p0 =	sne.s32 s23, s5;
	[sflag:s21] =	ssyncset.done $0x0  }
.Ltmp1:
0x5e: {  	[sflag:s21] =	ssyncadd.s32 $0xFFFFCE00;
	(pc) =	sbr.rel @p0 .LBB2_1-.Ltmp1, $4  }
0x5f: {  	[hbm4b:s7+s18] =	stream.strided.scatter [tilespmem:s14], [sflag:$0x4], $0x6400, s19, s18, $0x38;
	[tilespmem:$0x12C00] =	vst v63  }
0x60: {  	_ =	swait.ge [sflag:s22], $0x6400  }
0x61: {  	[sflag:s22] =	ssyncset.done $0x0  }
0x62: {  	[sflag:s22] =	ssyncadd.s32 $0xFFFF9C00  }
0x63: {  	_ =	sfence.sel $0x180000  }
0x64: {  	[bflag:$0x0] =	sbarrier.arrive $0xFFFF  }
0x65: {  	p0 =	sne.s32 s0, $0x0;
	_ =	strace $0x90000047  }
0x66: {  	s0 =	sadd.s32 @!p0 $0x100000, s1;
	[bflag:$0x2] =	sbarrier.arrive $0xFFFF  }
0x67: {  	[sflag:s0] =	ssyncadd.tile.s32 @!p0 $0x1;
	_ =	shalt  }
.Lfunc_end2:
_tile_overlayer_lowered:
.L_overlay_start_2:
0x68: {  	(tag) =	ssettag $0x2  }
0x69: {  	s0 =	rddreg [dreg:$0x0];
	s2 =	stileid.u32  }
0x6a: {  	s1 =	rddreg [dreg:$0x1];
	p0 =	sne.s32 s2, $0x0  }
0x6b: {  	s3 =	rddreg [dreg:$0x2];
	[bflag:$0x3] =	sbarrier.arrive $0xFFFF;
	s2 =	simm.s32 @!p0 $0x1C05  }
0x6c: {  	[timem:s3], [sflag:s2] =	dma.local @!p0 [hbm:s0], s1  }
0x6d: {  	s0 =	simm.s32 @!p0 $0x5  }
0x6e: {  	_ =	swait.ge @!p0 [sflag:s0], s1  }
0x6f: {  	s1 =	ssub.s32 @!p0 $0x0, s1;
	[sflag:s0] =	ssyncset.done @!p0 $0x0  }
0x70: {  	[sflag:s0] =	ssyncadd.s32 @!p0 s1  }
0x71: {  	[bflag:$0x3] =	sbarrier.arrive $0xFFFF  }
0x72: {  	_ =	shalt  }

</sc_bundles>
